<compile_context>
chip_gen: v7x
topology: tpu7x:2x2x1
jax: 0.10.2.dev20260603
libtpu: 0.0.44.dev20260713+nightly
codegen_flags: <defaults>
</compile_context>

<pallas_src>
import functools

import jax
import jax.numpy as jnp
from jax.experimental import pallas as pl


def _body(idx_d_ref, idx_w_ref, table_ref, out_ref, *, n_day, k_pad, nb):
    idx_d = idx_d_ref[0]
    idx_w = idx_w_ref[0]
    iota_d = jax.lax.broadcasted_iota(jnp.int32, (n_day, nb), 0)
    iota_w = jax.lax.broadcasted_iota(jnp.int32, (k_pad - n_day, nb), 0)
    oh_d = (iota_d == idx_d).astype(jnp.bfloat16)
    oh_w = (iota_w == idx_w).astype(jnp.bfloat16)
    one_hot = jnp.concatenate([oh_d, oh_w], axis=0)
    out_ref[0] = jnp.dot(
        table_ref[...], one_hot, preferred_element_type=jnp.float32
    )


def kernel(x, time_day, time_week, time):
    B, T, N, C = x.shape
    n_day, F = time_day.shape
    n_week = time_week.shape[0]
    k_pad = n_day + (n_week + 7) // 8 * 8

    table = jnp.concatenate(
        [time_day, time_week, jnp.zeros((k_pad - n_day - n_week, F), jnp.float32)],
        axis=0,
    )
    table_t = table.T.astype(jnp.bfloat16)

    idx_d = (x[:, -1, :, 1] * time).astype(jnp.int32)[:, None, :]
    idx_w = x[:, -1, :, 2].astype(jnp.int32)[:, None, :]

    nb = N
    grid = (B,)

    out = pl.pallas_call(
        functools.partial(_body, n_day=n_day, k_pad=k_pad, nb=nb),
        grid=grid,
        in_specs=[
            pl.BlockSpec((1, 1, nb), lambda b: (b, 0, 0)),
            pl.BlockSpec((1, 1, nb), lambda b: (b, 0, 0)),
            pl.BlockSpec((F, k_pad), lambda b: (0, 0)),
        ],
        out_specs=pl.BlockSpec((1, F, nb), lambda b: (b, 0, 0)),
        out_shape=jax.ShapeDtypeStruct((B, F, N), jnp.float32),
    )(idx_d, idx_w, table_t)

    return out[..., None]

# --- scband reference (transcript-rebuilt; emitter-appended) ---
"""Pipeline reference for scband-temporal-embedding-70832600646071 (READ-ONLY COPY).

The authoritative reference and input builder live on the scoring server;
editing this copy changes nothing except your own understanding.
"""

import jax, jax.numpy as jnp
import numpy as np


def setup_inputs(seed: int = 0) -> dict:
    key = jax.random.key(seed)
    k1, k2, k3 = jax.random.split(key, 3)
    time = 288
    features = 128
    # x: [B, T, N, C]; channel 1 = time-of-day fraction in [0,1), channel 2 = day-of-week value
    x = jax.random.uniform(k1, (64, 12, 4096, 3), dtype=jnp.float32)
    # xavier_uniform init for the two tables
    bd = (6.0 / (time + features)) ** 0.5
    time_day = jax.random.uniform(k2, (time, features), dtype=jnp.float32, minval=-bd, maxval=bd)
    bw = (6.0 / (7 + features)) ** 0.5
    time_week = jax.random.uniform(k3, (7, features), dtype=jnp.float32, minval=-bw, maxval=bw)
    return {"x": x, "time_day": time_day, "time_week": time_week, "time": time}


def reference(x, time_day, time_week, time):
    # day_emb: time-of-day fraction channel
    day_emb = x[..., 1]
    # take last timestep, scale to [0, time), truncate to int index (matches torch .type(LongTensor))
    idx_day = (day_emb[:, -1, :] * time).astype(jnp.int32)  # [B, N]
    t_day = jnp.take(time_day, idx_day, axis=0)             # [B, N, F]
    t_day = jnp.transpose(t_day, (0, 2, 1))[..., None]      # [B, F, N, 1]
    # week_emb: day-of-week channel
    week_emb = x[..., 2]
    idx_week = week_emb[:, -1, :].astype(jnp.int32)         # [B, N]
    t_week = jnp.take(time_week, idx_week, axis=0)          # [B, N, F]
    t_week = jnp.transpose(t_week, (0, 2, 1))[..., None]    # [B, F, N, 1]
    tem_emb = t_day + t_week
    return tem_emb

if __name__ == "__main__":
    import jax
    _d = setup_inputs()
    print(jax.jit(kernel)(*tuple(_d.values())))

</pallas_src>

<mosaic_0001>
module attributes {stable_mosaic.version = 14 : i64} {
  func.func @_body(%arg0: i32, %arg1: memref<1x1x4096xi32, #tpu.memory_space<vmem>>, %arg2: memref<1x1x4096xi32, #tpu.memory_space<vmem>>, %arg3: memref<128x296xbf16, #tpu.memory_space<vmem>>, %arg4: memref<1x128x4096xf32, #tpu.memory_space<vmem>>) attributes {dimension_semantics = [#tpu.dimension_semantics<arbitrary>], iteration_bounds = array<i64: 64>, scalar_prefetch = 0 : i64, scratch_operands = 0 : i64, tpu.core_type = #tpu.core_type<tc>, window_params = [{transform_indices = @transform_0, window_bounds = array<i64: 1, 1, 4096>}, {transform_indices = @transform_1, window_bounds = array<i64: 1, 1, 4096>}, {pipeline_mode = #tpu.pipeline_mode<synchronous>, transform_indices = @transform_2, window_bounds = array<i64: 128, 296>}, {transform_indices = @transform_3, window_bounds = array<i64: 1, 128, 4096>}]} {
    %get3A = arith.constant 0 : index
    %get3A_0 = arith.constant 0 : index
    %get3A_1 = arith.constant 0 : index
    %get3A_2 = vector.load %arg1[%get3A, %get3A_0, %get3A_1] : memref<1x1x4096xi32, #tpu.memory_space<vmem>>, vector<1x1x4096xi32>
    %get3A_3 = vector.shape_cast %get3A_2 : vector<1x1x4096xi32> to vector<1x4096xi32>
    %get3A_4 = arith.constant 0 : index
    %get3A_5 = arith.constant 0 : index
    %get3A_6 = arith.constant 0 : index
    %get3A_7 = vector.load %arg2[%get3A_4, %get3A_5, %get3A_6] : memref<1x1x4096xi32, #tpu.memory_space<vmem>>, vector<1x1x4096xi32>
    %get3A_8 = vector.shape_cast %get3A_7 : vector<1x1x4096xi32> to vector<1x4096xi32>
    %iota3A = tpu.iota {dimensions = array<i32: 0>} : vector<288x4096xi32>
    %iota3A_9 = tpu.iota {dimensions = array<i32: 0>} : vector<8x4096xi32>
    %eq3A = vector.broadcast %get3A_3 : vector<1x4096xi32> to vector<288x4096xi32>
    %eq3A_10 = arith.cmpi eq, %iota3A, %eq3A : vector<288x4096xi32>
    %convert_element_type3A = arith.extui %eq3A_10 : vector<288x4096xi1> to vector<288x4096xi32>
    %convert_element_type3A_11 = arith.sitofp %convert_element_type3A : vector<288x4096xi32> to vector<288x4096xf32>
    %convert_element_type3A_12 = arith.truncf %convert_element_type3A_11 : vector<288x4096xf32> to vector<288x4096xbf16>
    %eq3A_13 = vector.broadcast %get3A_8 : vector<1x4096xi32> to vector<8x4096xi32>
    %eq3A_14 = arith.cmpi eq, %iota3A_9, %eq3A_13 : vector<8x4096xi32>
    %convert_element_type3A_15 = arith.extui %eq3A_14 : vector<8x4096xi1> to vector<8x4096xi32>
    %convert_element_type3A_16 = arith.sitofp %convert_element_type3A_15 : vector<8x4096xi32> to vector<8x4096xf32>
    %convert_element_type3A_17 = arith.truncf %convert_element_type3A_16 : vector<8x4096xf32> to vector<8x4096xbf16>
    %concatenate3A = tpu.concatenate %convert_element_type3A_12, %convert_element_type3A_17 in 0 : vector<288x4096xbf16>, vector<8x4096xbf16> -> vector<296x4096xbf16>
    %get3A_18 = arith.constant 0 : index
    %get3A_19 = arith.constant 0 : index
    %get3A_20 = vector.load %arg3[%get3A_18, %get3A_19] : memref<128x296xbf16, #tpu.memory_space<vmem>>, vector<128x296xbf16>
    %dot_general3A = arith.constant dense<0.000000e+00> : vector<128x4096xf32>
    %dot_general3A_21 = tpu.matmul %get3A_20, %concatenate3A, %dot_general3A {dimension_numbers = #tpu.dot_dimension_numbers<[1], [0], [0], [1], [0, 0, 1, 1], [], []>, transpose_lhs_hint = false} : vector<128x296xbf16>, vector<296x4096xbf16>, vector<128x4096xf32> -> vector<128x4096xf32>
    %swap3A = arith.constant 0 : index
    %swap3A_22 = arith.constant 0 : index
    %swap3A_23 = arith.constant 0 : index
    %swap3A_24 = vector.load %arg4[%swap3A, %swap3A_22, %swap3A_23] : memref<1x128x4096xf32, #tpu.memory_space<vmem>>, vector<1x128x4096xf32>
    %swap3A_25 = vector.shape_cast %swap3A_24 : vector<1x128x4096xf32> to vector<128x4096xf32>
    %swap3A_26 = vector.shape_cast %dot_general3A_21 : vector<128x4096xf32> to vector<1x128x4096xf32>
    tpu.vector_store %arg4[%swap3A, %swap3A_22, %swap3A_23], %swap3A_26 {strides = array<i32>} : memref<1x128x4096xf32, #tpu.memory_space<vmem>>, vector<1x128x4096xf32>,
    return
  }
  func.func @transform_0(%arg0: i32) -> (i32, i32, i32) {
    %c0_i32 = arith.constant 0 : i32
    %c0_i32_0 = arith.constant 0 : i32
    %c0_i32_1 = arith.constant 0 : i32
    return %arg0, %c0_i32, %c0_i32_0 : i32, i32, i32
  }
  func.func @transform_1(%arg0: i32) -> (i32, i32, i32) {
    %c0_i32 = arith.constant 0 : i32
    %c0_i32_0 = arith.constant 0 : i32
    %c0_i32_1 = arith.constant 0 : i32
    return %arg0, %c0_i32, %c0_i32_0 : i32, i32, i32
  }
  func.func @transform_2(%arg0: i32) -> (i32, i32) {
    %c0_i32 = arith.constant 0 : i32
    %c0_i32_0 = arith.constant 0 : i32
    %c0_i32_1 = arith.constant 0 : i32
    return %c0_i32, %c0_i32_0 : i32, i32
  }
  func.func @transform_3(%arg0: i32) -> (i32, i32, i32) {
    %c0_i32 = arith.constant 0 : i32
    %c0_i32_0 = arith.constant 0 : i32
    %c0_i32_1 = arith.constant 0 : i32
    return %arg0, %c0_i32, %c0_i32_0 : i32, i32, i32
  }
}

</mosaic_0001>

<sc_bundles>
// kernel: sparse-core-data-format-call.cloned.1.call-start
scs
called_computation_lowered:
.L_overlay_start_0:
0x0: {  	s2 =	sld [smem:$0x3FD9]  }
0x1: {  	s3 =	sld [smem:$0x3FFE];
	_ =	sdelay $0x1  }
0x2: {  	s1 =	srdreg.scid  }
0x3: {  	s0 =	sand.u32 $0x1, s1  }
0x4: {  	s18 =	sshll.u32 s0, $0xA;
	s2 =	sadd.s32 s3, s2  }
0x5: {  	s2 =	sadd.s32 s2, s18  }
0x6: {  	[smem:$0x3FC4] =	sst s2  }
0x7: {  	_ = 	snop  }
0x8: {  	s2 =	sld [smem:$0x3FD0];
	(tm) =	ssettm $0x1  }
0x9: {  	s19 =	sld [smem:$0x3FFB];
	_ =	sdelay $0x3  }
0xa: {  	_ =	strace s19  }
0xb: {  	s3 =	sld [smem:$0x3FFC];
	_ =	sdelay $0x3  }
0xc: {  	_ =	strace s3  }
0xd: {  	s3 =	sld [smem:$0x3FFD];
	_ =	sdelay $0x3  }
0xe: {  	_ =	strace s3  }
0xf: {  	_ =	strace $0x8FFFFFFF  }
0x10: {  	s20 =	sld [smem:$0x3FDB];
	_ =	sdelay $0x1  }
0x11: {  	s4 =	simm.s32 $_scs_section_size  }
0x12: {  	s5 =	simm.s32 $_size__tile_overlayer_lowered;
	s6 =	simm.s32 $_tile_overlayer_lowered  }
0x13: {  	s23 =	simm.s32 $0x1BFF;
	s22 =	sshll.u32 s6, $0x1;
	s3 =	sadd.s32 s4, s20  }
0x14: {  	s7 =	simm.s32 $0x0;
	s21 =	sshll.u32 s5, $0x1;
	s5 =	sadd.s32 s22, s3  }
0x15: {  	[timem:s7], [sflag:s23] =	dma.local [hbm:s5], s21  }
0x16: {  	_ =	swait.ge [sflag:s23], s21  }
0x17: {  	s4 =	ssub.s32 $0x0, s21;
	[sflag:s23] =	ssyncset.done $0x0  }
0x18: {  	[sflag:s23] =	ssyncadd.s32 s4;
	_ =	sdelay $0x1  }
0x19: {  	s24 =	simm.s32 $0x1B8B  }
0x1a: {  	_ =	swait.ge [sflag:s24], $0x1  }
0x1b: {  	[sflag:s24] =	ssyncset.done $0x0  }
0x1c: {  	s26 =	simm.s32 $0x1B8E;
	s25 =	sld [smem:$0x3FFE];
	[sflag:s24] =	ssyncadd.s32 $0xFFFFFFFF  }
0x1d: {  	s27 =	simm.s32 $execute0_lowered;
	[smem:$0x3FD2] =	sst s26  }
0x1e: {  	s5 =	sshll.u32 s27, $0x1;
	_ =	strace $0x80000046;
	[dreg:$0x1] =	wrdreg $0xFFFFFFFF  }
0x1f: {  	s28 =	simm.s32 $_size_execute0_lowered;
	s3 =	sadd.s32 s3, s5;
	[dreg:$0x0] =	wrdreg $0x0  }
0x20: {  	s5 =	sshll.u32 s28, $0x1;
	[dreg:$0x2] =	wrdreg s3  }
0x21: {  	[dreg:$0x3] =	wrdreg s5  }
0x22: {  	[dreg:$0x4] =	wrdreg $0xC0  }
0x23: {  	_ =	task [dreg:s7], $0x5FFFF  }
0x24: {  	[dreg:$0x1] =	wrdreg $0xFFFFFFFF  }
0x25: {  	[dreg:$0x0] =	wrdreg $0x60  }
0x26: {  	[dreg:$0x2] =	wrdreg s25  }
0x27: {  	[dreg:$0x3] =	wrdreg s2  }
0x28: {  	[dreg:$0x4] =	wrdreg $0x9  }
0x29: {  	_ =	task.clear_ibuf [dreg:s7], $0x5FFFF;
	_ =	strace $0x90000046  }
0x2a: {  	s29 =	simm.s32 $0x9;
	_ =	strace $0x80000048  }
0x2b: {  	_ =	swait.ge [sflag:s29], $0x1  }
0x2c: {  	[sflag:s29] =	ssyncadd.s32 $0xFFFFFFFF  }
0x2d: {  	_ =	strace $0x90000048  }
0x2e: {  	_ =	sfence  }
0x2f: {  	s30 =	sld [smem:$0x0];
	_ =	sdelay $0x2  }
0x30: {  	s31 =	sshll.u32 s1, $0xD;
	s1 =	sshrl.u32 s1, $0x2  }
0x31: {  	s3 =	sand.u32 $0x4000, s31;
	s1 =	sadd.s32 s1, s30  }
0x32: {  	s0 =	sor.u32 s3, s0;
	s1 =	sshll.u32 s1, $0x11  }
0x33: {  	s0 =	sor.u32 s1, s0  }
0x34: {  	s0 =	sadd.s32 $0x8F2B, s0  }
0x35: {  	[sflag:s0] =	ssyncadd.remote.s32 $0x1  }
0x36: {  	_ =	sfence.sel $0xFFFF  }
0x37: {  	[dreg:$0x0] =	wrdreg $0xFFFFFFFF;
	(pc) =	sbr.abs _section_cstart, $3  }
0x38: {  	[dreg:$0x1] =	wrdreg $0xFFFFFFFF  }
0x39: {  	_ =	task.clear_ibuf [dreg:s7], $0x2FFFF;
	_ =	strace $0x9FFFFFFF  }
0x3a: {  	(tm) =	ssettm $0x7FFFFFFF  }
0x3b: {  	_ =	shalt  }
tec
execute0_lowered:
.L_overlay_start_1:
0x0: {  	(tag) =	ssettag $0x1  }
0x1: {  	s1 =	rddreg [dreg:$0x0]  }
0x2: {  	s2 =	rddreg [dreg:$0x1]  }
0x3: {  	s0 =	rddreg [dreg:$0x2]  }
0x4: {  	s4 =	srdreg.scid;
	_ =	strace $0x80000047;
	s6 =	simm.s32 $0x2  }
0x5: {  	s11 =	simm.s32 $0x0;
	p0 =	por $0x0, $0x0;
	s12 =	simm.s32 $0x0  }
.Ltmp0:
0x6: {  	s13 =	simm.s32 $0x0;
	s8 =	simm.s32 $0x0;
	(pc) =	sbr.rel .LBB1_1-.Ltmp0, $4  }
0x7: {  	s9 =	simm.s32 $0x0;
	s3 =	sadd.s32 $0x800, s1;
	s4 =	sshll.u32 s4, $0x4  }
0x8: {  	s1 =	stileid.u32;
	s5 =	sand.u32 $0x10, s4;
	s4 =	simm.s32 $0x1  }
0x9: {  	s7 =	simm.s32 $0x0;
	s5 =	sor.u32 s1, s5;
	[sflag:s4] =	ssyncpa.u1 $0x0  }
0xa: {  	[sflag:s6] =	ssyncpa.u1 $0x0;
	s6 =	simm.s32 $0x1000;
	s10 =	smov.u32 s5  }
.LBB1_7:
0xb: {  	s14 =	sadd.s32 $0x800, s8  }
0xc: {  	s11 =	sadd.s32 $0x8, s9;
	s15 =	smov.u32 s9;
	p2 =	sgt.s32 s14, $0xFFF  }
0xd: {  	s15 =	smov.u32 @p2 s11  }
0xe: {  	s17 =	smov.u32 s10;
	s11 =	sadd.s32 $0x20, s10;
	p3 =	sgt.s32 s15, $0x7F  }
0xf: {  	p1 =	slt.u32 s7, $0x2;
	s17 =	smov.u32 @p3 s11  }
0x10: {  	s7 =	sadd.s32 $0x1, s7;
	s14 =	simm.s32 @p2 $0x0;
	p2 =	sgt.s32 s17, $0x3F  }
0x11: {  	s17 =	smov.u32 @p2 s5;
	p2 =	sne.s32 s7, $0x42  }
.Ltmp1:
0x12: {  	s16 =	simm.s32 @!p1 $0x2;
	(pc) =	sbr.rel @!p2 .LBB1_8-.Ltmp1, $4  }
0x13: {  	s12 =	smov.u32 s9;
	_ =	swait.ge @!p1 [sflag:s16], $0x4000  }
0x14: {  	s13 =	smov.u32 s10;
	p0 =	por !p0, !p0;
	[sflag:s16] =	ssyncset.done @!p1 $0x0  }
0x15: {  	s15 =	simm.s32 @p3 $0x0;
	s11 =	smov.u32 s8;
	[sflag:s16] =	ssyncadd.s32 @!p1 $0xFFFFC000  }
0x16: {  	s8 =	smov.u32 s14;
	s9 =	smov.u32 s15;
	s10 =	smov.u32 s17  }
.LBB1_1:
0x17: {  	p1 =	sgt.u32 s7, $0x3F  }
0x18: {  	s14 =	sxor.u32 @!p1 $0xFFFFFFFF, s7;
	s15 =	sand.u32 @!p1 $0x78, s8;
	s16 =	sshll.u32 @!p1 s9, $0xC  }
0x19: {  	s17 =	sshll.u32 @!p1 s8, $0x3;
	s18 =	sshll.u32 @!p1 s9, $0x7;
	s16 =	sand.u32 @!p1 $0x78000, s16  }
0x1a: {  	s18 =	sand.u32 @!p1 $0x380, s18;
	s16 =	sadd.s32 @!p1 s16, s17;
	s17 =	sand.u32 @!p1 $0xC00, s17  }
0x1b: {  	s15 =	sor.u32 @!p1 s18, s15;
	s18 =	sshll.u32 @!p1 s10, $0x10;
	s16 =	sshrl.u32 @!p1 s16, $0x3  }
0x1c: {  	s15 =	sor.u32 @!p1 s17, s15;
	s17 =	sadd.s32 @!p1 s3, s18;
	s16 =	sand.u32 @!p1 $0xFE00, s16  }
0x1d: {  	s14 =	sshll.u32 @!p1 s14, $0xE;
	s15 =	sshrl.u32 @!p1 s15, $0x3;
	s16 =	sadd.s32 @!p1 s16, s17  }
0x1e: {  	s14 =	sand.u32 @!p1 $0x4000, s14;
	s15 =	sadd.s32 @!p1 s15, s16;
	s16 =	sand.u32 @!p1 $0x7, s8  }
0x1f: {  	[tilespmem:s14], [sflag:$0x1] =	stream.linear.gather @!p1 [hbm4b:s15+s16], $0x4000, $0x38;
	[tilespmem:$0x10000] =	vst v63  }
0x20: {  	p1 =	seq.s32 s7, $0x0  }
0x21: {  	p2 =	seq.s32 @!p1 s7, $0x41  }
0x22: {  	p1 =	por p1, p2  }
.Ltmp2:
0x23: {  	_ = 	snop;
	(pc) =	sbr.rel @p1 .LBB1_7-.Ltmp2, $1  }
0x24: {  	_ =	sdelay $0x3  }
0x25: {  	s14 =	simm.s32 $0x1;
	_ =	swait.ge [sflag:s4], $0x4000;
	s17 =	sshll.u32 s7, $0xE  }
0x26: {  	s14 =	simm.s32 @!p0 $0x0;
	[sflag:s4] =	ssyncset.done $0x0;
	s31 =	sand.u32 $0x4000, s17  }
0x27: {  	s17 =	simm.s32 $0x0;
	s14 =	sshll.u32 s14, $0xE;
	[sflag:s4] =	ssyncadd.s32 $0xFFFFC000  }
0x28: {  	s15 =	sor.u32 $0x8100, s14;
	s16 =	sor.u32 $0x800, s14;
	s14 =	sor.u32 $0x8000, s31  }
.LBB1_3:
0x29: {  	v0 =	vld [tilespmem:s16+$0x470]  }
0x2a: {  	v1 =	vld [tilespmem:s16+$0xFFFFF810]  }
0x2b: {  	v2 =	vld [tilespmem:s16+$0xFFFFF820]  }
0x2c: {  	v3 =	vld [tilespmem:s16+$0xFFFFF830]  }
0x2d: {  	v4 =	vld [tilespmem:s16+$0xFFFFF840]  }
0x2e: {  	v5 =	vld [tilespmem:s16+$0xFFFFF850];
	[tilespmem:s15+$0xF0] =	vst v0  }
0x2f: {  	[tilespmem:s15+$0xFFFFFF10] =	vst v1;
	v0 =	vld [tilespmem:s16+$0xFFFFF860]  }
0x30: {  	[tilespmem:s15+$0xFFFFFF20] =	vst v2;
	v1 =	vld [tilespmem:s16+$0xFFFFF870]  }
0x31: {  	[tilespmem:s15+$0xFFFFFF30] =	vst v3;
	v2 =	vld [tilespmem:s16+$0xFFFFFC00]  }
0x32: {  	[tilespmem:s15+$0xFFFFFF40] =	vst v4;
	v3 =	vld [tilespmem:s16+$0xFFFFFC10]  }
0x33: {  	[tilespmem:s15+$0xFFFFFF50] =	vst v5;
	v4 =	vld [tilespmem:s16+$0xFFFFFC20]  }
0x34: {  	v5 =	vld [tilespmem:s16+$0x420];
	[tilespmem:s15+$0xFFFFFF60] =	vst v0  }
0x35: {  	v0 =	vld [tilespmem:s16+$0xFFFFFC30];
	[tilespmem:s15+$0xFFFFFF70] =	vst v1  }
0x36: {  	v1 =	vld [tilespmem:s16+$0xFFFFFC40];
	[tilespmem:s15+$0xFFFFFF80] =	vst v2  }
0x37: {  	[tilespmem:s15+$0xFFFFFF90] =	vst v3;
	v3 =	vld [tilespmem:s16+$0xFFFFFC60]  }
0x38: {  	[tilespmem:s15+$0xFFFFFFA0] =	vst v4;
	v4 =	vld [tilespmem:s16+$0xFFFFFC70]  }
0x39: {  	v2 =	vld [tilespmem:s16+$0xFFFFFC50];
	[tilespmem:s15+$0xA0] =	vst v5  }
0x3a: {  	[tilespmem:s15+$0xFFFFFFB0] =	vst v0;
	v0 =	vld [tilespmem:s16+$0x0]  }
0x3b: {  	[tilespmem:s15+$0xFFFFFFC0] =	vst v1;
	v1 =	vld [tilespmem:s16+$0x10]  }
0x3c: {  	[tilespmem:s15+$0xFFFFFFE0] =	vst v3;
	v3 =	vld [tilespmem:s16+$0x30]  }
0x3d: {  	[tilespmem:s15+$0xFFFFFFF0] =	vst v4;
	v4 =	vld [tilespmem:s16+$0x40]  }
0x3e: {  	[tilespmem:s15+$0xFFFFFFD0] =	vst v2;
	v2 =	vld [tilespmem:s16+$0x20]  }
0x3f: {  	[tilespmem:s15+$0x0] =	vst v0;
	v0 =	vld [tilespmem:s16+$0x50]  }
0x40: {  	[tilespmem:s15+$0x10] =	vst v1;
	v1 =	vld [tilespmem:s16+$0x60]  }
0x41: {  	[tilespmem:s15+$0x30] =	vst v3;
	v3 =	vld [tilespmem:s16+$0x400]  }
0x42: {  	[tilespmem:s15+$0x40] =	vst v4;
	v4 =	vld [tilespmem:s16+$0x410]  }
0x43: {  	[tilespmem:s15+$0x20] =	vst v2;
	v2 =	vld [tilespmem:s16+$0x70]  }
0x44: {  	[tilespmem:s15+$0x50] =	vst v0;
	v0 =	vld [tilespmem:s16+$0x430]  }
0x45: {  	[tilespmem:s15+$0x60] =	vst v1;
	v1 =	vld [tilespmem:s16+$0x440]  }
0x46: {  	[tilespmem:s15+$0x80] =	vst v3;
	v3 =	vld [tilespmem:s16+$0x450]  }
0x47: {  	[tilespmem:s15+$0x90] =	vst v4;
	v4 =	vld [tilespmem:s16+$0x460]  }
0x48: {  	s19 =	simm.s32 $0x0;
	s20 =	sadd.s32 $0x1000, s16;
	s18 =	smov.u32 s15;
	[tilespmem:s15+$0x70] =	vst v2;
	v2 =	vld [tilespmem:s16+$0xFFFFF800]  }
.LBB1_4:
0x49: {  	v5 =	vld [tilespmem:s20+$0x470];
	s19 =	sadd.s32 $0x200, s19;
	[tilespmem:s18+$0xB0] =	vst v0  }
0x4a: {  	v0 =	vld [tilespmem:s20+$0xFFFFF810];
	p1 =	slt.u32 s19, $0x600;
	[tilespmem:s18+$0xC0] =	vst v1  }
0x4b: {  	v1 =	vld [tilespmem:s20+$0xFFFFF820];
	[tilespmem:s18+$0xD0] =	vst v3  }
0x4c: {  	v3 =	vld [tilespmem:s20+$0xFFFFF830];
	[tilespmem:s18+$0xE0] =	vst v4  }
0x4d: {  	v4 =	vld [tilespmem:s20+$0xFFFFF840];
	[tilespmem:s18+$0xFFFFFF00] =	vst v2;
	s18 =	sadd.s32 $0x200, s18  }
0x4e: {  	v2 =	vld [tilespmem:s20+$0xFFFFF850];
	[tilespmem:s18+$0xF0] =	vst v5  }
0x4f: {  	[tilespmem:s18+$0xFFFFFF10] =	vst v0;
	v0 =	vld [tilespmem:s20+$0xFFFFF860]  }
0x50: {  	[tilespmem:s18+$0xFFFFFF20] =	vst v1;
	v1 =	vld [tilespmem:s20+$0xFFFFF870]  }
0x51: {  	[tilespmem:s18+$0xFFFFFF30] =	vst v3;
	v3 =	vld [tilespmem:s20+$0xFFFFFC00]  }
0x52: {  	[tilespmem:s18+$0xFFFFFF40] =	vst v4;
	v4 =	vld [tilespmem:s20+$0xFFFFFC10]  }
0x53: {  	[tilespmem:s18+$0xFFFFFF50] =	vst v2;
	v2 =	vld [tilespmem:s20+$0xFFFFFC20]  }
0x54: {  	[tilespmem:s18+$0xFFFFFF60] =	vst v0;
	v0 =	vld [tilespmem:s20+$0xFFFFFC30]  }
0x55: {  	[tilespmem:s18+$0xFFFFFF70] =	vst v1;
	v1 =	vld [tilespmem:s20+$0xFFFFFC40]  }
0x56: {  	[tilespmem:s18+$0xFFFFFF80] =	vst v3;
	v3 =	vld [tilespmem:s20+$0xFFFFFC50]  }
0x57: {  	[tilespmem:s18+$0xFFFFFF90] =	vst v4;
	v4 =	vld [tilespmem:s20+$0xFFFFFC60]  }
0x58: {  	[tilespmem:s18+$0xFFFFFFA0] =	vst v2;
	v2 =	vld [tilespmem:s20+$0xFFFFFC70]  }
0x59: {  	[tilespmem:s18+$0xFFFFFFB0] =	vst v0;
	v0 =	vld [tilespmem:s20+$0x0]  }
0x5a: {  	[tilespmem:s18+$0xFFFFFFC0] =	vst v1;
	v1 =	vld [tilespmem:s20+$0x10]  }
0x5b: {  	[tilespmem:s18+$0xFFFFFFD0] =	vst v3;
	v3 =	vld [tilespmem:s20+$0x20]  }
0x5c: {  	[tilespmem:s18+$0xFFFFFFE0] =	vst v4;
	v4 =	vld [tilespmem:s20+$0x30]  }
0x5d: {  	[tilespmem:s18+$0xFFFFFFF0] =	vst v2;
	v2 =	vld [tilespmem:s20+$0x40]  }
0x5e: {  	[tilespmem:s18+$0x0] =	vst v0;
	v0 =	vld [tilespmem:s20+$0x50]  }
0x5f: {  	[tilespmem:s18+$0x10] =	vst v1;
	v1 =	vld [tilespmem:s20+$0x60]  }
0x60: {  	[tilespmem:s18+$0x20] =	vst v3;
	v3 =	vld [tilespmem:s20+$0x70]  }
0x61: {  	[tilespmem:s18+$0x30] =	vst v4;
	v4 =	vld [tilespmem:s20+$0x400]  }
0x62: {  	[tilespmem:s18+$0x40] =	vst v2;
	v2 =	vld [tilespmem:s20+$0x410]  }
0x63: {  	[tilespmem:s18+$0x50] =	vst v0;
	v5 =	vld [tilespmem:s20+$0x420]  }
.Ltmp3:
0x64: {  	[tilespmem:s18+$0x60] =	vst v1;
	v0 =	vld [tilespmem:s20+$0x430];
	(pc) =	sbr.rel @p1 .LBB1_4-.Ltmp3, $4  }
0x65: {  	[tilespmem:s18+$0x70] =	vst v3;
	v1 =	vld [tilespmem:s20+$0x440]  }
0x66: {  	[tilespmem:s18+$0x80] =	vst v4;
	v3 =	vld [tilespmem:s20+$0x450]  }
0x67: {  	[tilespmem:s18+$0x90] =	vst v2;
	v4 =	vld [tilespmem:s20+$0x460]  }
0x68: {  	v2 =	vld [tilespmem:s20+$0xFFFFF800];
	[tilespmem:s18+$0xA0] =	vst v5;
	s20 =	sadd.s32 $0x1000, s20  }
0x69: {  	s17 =	sadd.s32 $0x1, s17  }
0x6a: {  	p1 =	sne.s32 s17, $0x8  }
.Ltmp4:
0x6b: {  	[tilespmem:s18+$0xB0] =	vst v0;
	(pc) =	sbr.rel @p1 .LBB1_3-.Ltmp4, $4  }
0x6c: {  	[tilespmem:s18+$0xC0] =	vst v1  }
0x6d: {  	[tilespmem:s18+$0xD0] =	vst v3  }
0x6e: {  	[tilespmem:s18+$0xE0] =	vst v4  }
0x6f: {  	s15 =	sadd.s32 $0x800, s15;
	s16 =	sadd.s32 $0x80, s16;
	[tilespmem:s18+$0xFFFFFF00] =	vst v2  }
.Ltmp5:
0x70: {  	s13 =	sshll.u32 s13, $0x10;
	s12 =	sshll.u32 s12, $0x9;
	(pc) =	sbr.rel .LBB1_7-.Ltmp5, $4  }
0x71: {  	s15 =	sshrl.u32 s11, $0x3;
	s31 =	sand.u32 $0x7, s11;
	s13 =	sadd.s32 s2, s13  }
0x72: {  	s15 =	sand.u32 $0x1FF, s15;
	s11 =	sshll.u32 s31, $0x12;
	s12 =	sadd.s32 s12, s13  }
0x73: {  	s11 =	sor.u32 $0x800, s11;
	s12 =	sadd.s32 s15, s12  }
0x74: {  	[hbm4b:s12+s11] =	stream.strided.scatter [tilespmem:s14], [sflag:$0x2], $0x4000, s6, s11, $0x38;
	[tilespmem:$0x10000] =	vst v63  }
.LBB1_8:
0x75: {  	_ =	sfence.sel $0x180000  }
0x76: {  	s2 =	simm.s32 $0x1;
	[bflag:$0x0] =	sbarrier.arrive $0xFFFF  }
0x77: {  	s31 =	simm.s32 $0x2;
	[sflag:s2] =	ssyncpa.u1 $0x1  }
0x78: {  	[sflag:s31] =	ssyncpa.u1 $0x1  }
0x79: {  	p0 =	sne.s32 s1, $0x0;
	_ =	strace $0x90000047  }
0x7a: {  	s0 =	sadd.s32 @!p0 $0x100000, s0;
	[bflag:$0x2] =	sbarrier.arrive $0xFFFF  }
0x7b: {  	[sflag:s0] =	ssyncadd.tile.s32 @!p0 $0x1;
	_ =	shalt  }
.Lfunc_end1:
_tile_overlayer_lowered:
.L_overlay_start_2:
0x7c: {  	(tag) =	ssettag $0x2  }
0x7d: {  	s0 =	rddreg [dreg:$0x0];
	s2 =	stileid.u32  }
0x7e: {  	s1 =	rddreg [dreg:$0x1];
	p0 =	sne.s32 s2, $0x0  }
0x7f: {  	s3 =	rddreg [dreg:$0x2];
	[bflag:$0x3] =	sbarrier.arrive $0xFFFF;
	s2 =	simm.s32 @!p0 $0x1C01  }
0x80: {  	[timem:s3], [sflag:s2] =	dma.local @!p0 [hbm:s0], s1  }
0x81: {  	s0 =	simm.s32 @!p0 $0x1  }
0x82: {  	_ =	swait.ge @!p0 [sflag:s0], s1  }
0x83: {  	s1 =	ssub.s32 @!p0 $0x0, s1;
	[sflag:s0] =	ssyncset.done @!p0 $0x0  }
0x84: {  	[sflag:s0] =	ssyncadd.s32 @!p0 s1  }
0x85: {  	[bflag:$0x3] =	sbarrier.arrive $0xFFFF  }
0x86: {  	_ =	shalt  }

</sc_bundles>
